<compile_context>
chip_gen: v7x
topology: tpu7x:2x2x1
jax: 0.10.2.dev20260603
libtpu: 0.0.44.dev20260713+nightly
codegen_flags: <defaults>
</compile_context>

<pallas_src>
import functools

import jax
import jax.numpy as jnp
from jax.experimental import pallas as pl
from jax.experimental.pallas import tpu as pltpu
from jax.experimental.pallas import tpu_sc as plsc


def _sc_scalar_lookup(idx_flat, table):
    B = idx_flat.shape[0]
    V, D = table.shape
    mesh = plsc.ScalarSubcoreMesh(axis_name="c", num_cores=1)

    @functools.partial(
        pl.kernel,
        out_type=jax.ShapeDtypeStruct((B, D), jnp.float32),
        mesh=mesh,
        compiler_params=pltpu.CompilerParams(needs_layout_passes=False),
        scratch_types=[
            pltpu.SMEM((B,), jnp.int32),
            pltpu.SMEM((V, D), jnp.float32),
            pltpu.SMEM((B, D), jnp.float32),
            pltpu.SemaphoreType.DMA,
        ],
    )
    def body(idx_hbm, tab_hbm, out_hbm, idx_s, tab_s, out_s, sem):
        ins = [
            pltpu.async_copy(idx_hbm, idx_s, sem),
            pltpu.async_copy(tab_hbm, tab_s, sem),
        ]
        for c in ins:
            c.wait()
        for b in range(B):
            row = idx_s[b]
            for d in range(D):
                out_s[b, d] = tab_s[row, d]
        pltpu.sync_copy(out_s, out_hbm)

    return body(idx_flat, table)


def kernel(inputs, table):
    out = _sc_scalar_lookup(inputs.reshape(-1).astype(jnp.int32), table)
    return out.reshape(inputs.shape + (table.shape[1],))

# --- scband reference (transcript-rebuilt; emitter-appended) ---
"""Pipeline reference for scband-my-model-87522843558913 (READ-ONLY COPY).

The authoritative reference and input builder live on the scoring server;
editing this copy changes nothing except your own understanding.
"""

import jax, jax.numpy as jnp
import numpy as np


def setup_inputs(seed: int = 0) -> dict:
    key = jax.random.key(seed)
    k1, k2 = jax.random.split(key)
    # Forward arg: indices into the embedding table, fixed shape [1, 2] per tf.function input_signature
    inputs = jax.random.randint(k1, (1, 2), 0, 3).astype(jnp.int32)
    # Learned parameter: embedding table sized per the hardcoded Embedding(input_dim=3, output_dim=4)
    # Keras default initializer for Embedding is uniform(-0.05, 0.05)
    table = jax.random.uniform(k2, (3, 4), dtype=jnp.float32, minval=-0.05, maxval=0.05)
    return {"inputs": inputs, "table": table}


def reference(inputs, table):
    # tf.keras.layers.Embedding == row gather from the table
    return jnp.take(table, inputs, axis=0)  # [1, 2, 4]

if __name__ == "__main__":
    import jax
    _d = setup_inputs()
    print(jax.jit(kernel)(*tuple(_d.values())))

</pallas_src>

<mosaic_0001>
#map = affine_map<(d0) -> (0)>
#map1 = affine_map<(d0) -> (0, 0)>
module attributes {stable_mosaic.version = 14 : i64} {
  func.func @body(%arg0: i32, %arg1: memref<2xi32, #tpu.memory_space<hbm>>, %arg2: memref<3x4xf32, #tpu.memory_space<hbm>>, %arg3: memref<2x4xf32, #tpu.memory_space<hbm>>, %arg4: memref<2xi32, #tpu.memory_space<smem>>, %arg5: memref<3x4xf32, #tpu.memory_space<smem>>, %arg6: memref<2x4xf32, #tpu.memory_space<smem>>, %arg7: memref<!tpu.dma_semaphore, #tpu.memory_space<semaphore_mem>>) attributes {dimension_semantics = [#tpu.dimension_semantics<core_parallel>], iteration_bounds = array<i64: 1>, scalar_prefetch = 0 : i64, scratch_operands = 4 : i64, tpu.core_type = #tpu.core_type<sc_scalar_subcore>, window_params = [{transform_indices = #map}, {transform_indices = #map1}, {transform_indices = #map1}]} {
    tpu.enqueue_dma source(%arg1 : memref<2xi32, #tpu.memory_space<hbm>>) target(%arg4 : memref<2xi32, #tpu.memory_space<smem>>) target_semaphore(%arg7 : memref<!tpu.dma_semaphore, #tpu.memory_space<semaphore_mem>>)
    tpu.enqueue_dma source(%arg2 : memref<3x4xf32, #tpu.memory_space<hbm>>) target(%arg5 : memref<3x4xf32, #tpu.memory_space<smem>>) target_semaphore(%arg7 : memref<!tpu.dma_semaphore, #tpu.memory_space<semaphore_mem>>)
    tpu.wait_dma2 semaphore(%arg7 : memref<!tpu.dma_semaphore, #tpu.memory_space<semaphore_mem>>) src(%arg1 : memref<2xi32, #tpu.memory_space<hbm>>) dst(%arg4 : memref<2xi32, #tpu.memory_space<smem>>)
    tpu.wait_dma2 semaphore(%arg7 : memref<!tpu.dma_semaphore, #tpu.memory_space<semaphore_mem>>) src(%arg2 : memref<3x4xf32, #tpu.memory_space<hbm>>) dst(%arg5 : memref<3x4xf32, #tpu.memory_space<smem>>)
    %get3A = arith.constant 0 : i32
    %get3A_0 = arith.index_cast %get3A : i32 to index
    %get3A_1 = memref.load %arg4[%get3A_0] : memref<2xi32, #tpu.memory_space<smem>>
    %get3A_2 = arith.constant 0 : i32
    %get3A_3 = arith.index_cast %get3A_1 : i32 to index
    %get3A_4 = arith.index_cast %get3A_2 : i32 to index
    %get3A_5 = memref.load %arg5[%get3A_3, %get3A_4] : memref<3x4xf32, #tpu.memory_space<smem>>
    %swap3A = arith.constant 0 : i32
    %swap3A_6 = arith.constant 0 : i32
    %swap3A_7 = arith.index_cast %swap3A : i32 to index
    %swap3A_8 = arith.index_cast %swap3A_6 : i32 to index
    %swap3A_9 = memref.load %arg6[%swap3A_7, %swap3A_8] : memref<2x4xf32, #tpu.memory_space<smem>>
    memref.store %get3A_5, %arg6[%swap3A_7, %swap3A_8] : memref<2x4xf32, #tpu.memory_space<smem>>
    %get3A_10 = arith.constant 1 : i32
    %get3A_11 = arith.index_cast %get3A_1 : i32 to index
    %get3A_12 = arith.index_cast %get3A_10 : i32 to index
    %get3A_13 = memref.load %arg5[%get3A_11, %get3A_12] : memref<3x4xf32, #tpu.memory_space<smem>>
    %swap3A_14 = arith.constant 0 : i32
    %swap3A_15 = arith.constant 1 : i32
    %swap3A_16 = arith.index_cast %swap3A_14 : i32 to index
    %swap3A_17 = arith.index_cast %swap3A_15 : i32 to index
    %swap3A_18 = memref.load %arg6[%swap3A_16, %swap3A_17] : memref<2x4xf32, #tpu.memory_space<smem>>
    memref.store %get3A_13, %arg6[%swap3A_16, %swap3A_17] : memref<2x4xf32, #tpu.memory_space<smem>>
    %get3A_19 = arith.constant 2 : i32
    %get3A_20 = arith.index_cast %get3A_1 : i32 to index
    %get3A_21 = arith.index_cast %get3A_19 : i32 to index
    %get3A_22 = memref.load %arg5[%get3A_20, %get3A_21] : memref<3x4xf32, #tpu.memory_space<smem>>
    %swap3A_23 = arith.constant 0 : i32
    %swap3A_24 = arith.constant 2 : i32
    %swap3A_25 = arith.index_cast %swap3A_23 : i32 to index
    %swap3A_26 = arith.index_cast %swap3A_24 : i32 to index
    %swap3A_27 = memref.load %arg6[%swap3A_25, %swap3A_26] : memref<2x4xf32, #tpu.memory_space<smem>>
    memref.store %get3A_22, %arg6[%swap3A_25, %swap3A_26] : memref<2x4xf32, #tpu.memory_space<smem>>
    %get3A_28 = arith.constant 3 : i32
    %get3A_29 = arith.index_cast %get3A_1 : i32 to index
    %get3A_30 = arith.index_cast %get3A_28 : i32 to index
    %get3A_31 = memref.load %arg5[%get3A_29, %get3A_30] : memref<3x4xf32, #tpu.memory_space<smem>>
    %swap3A_32 = arith.constant 0 : i32
    %swap3A_33 = arith.constant 3 : i32
    %swap3A_34 = arith.index_cast %swap3A_32 : i32 to index
    %swap3A_35 = arith.index_cast %swap3A_33 : i32 to index
    %swap3A_36 = memref.load %arg6[%swap3A_34, %swap3A_35] : memref<2x4xf32, #tpu.memory_space<smem>>
    memref.store %get3A_31, %arg6[%swap3A_34, %swap3A_35] : memref<2x4xf32, #tpu.memory_space<smem>>
    %get3A_37 = arith.constant 1 : i32
    %get3A_38 = arith.index_cast %get3A_37 : i32 to index
    %get3A_39 = memref.load %arg4[%get3A_38] : memref<2xi32, #tpu.memory_space<smem>>
    %get3A_40 = arith.constant 0 : i32
    %get3A_41 = arith.index_cast %get3A_39 : i32 to index
    %get3A_42 = arith.index_cast %get3A_40 : i32 to index
    %get3A_43 = memref.load %arg5[%get3A_41, %get3A_42] : memref<3x4xf32, #tpu.memory_space<smem>>
    %swap3A_44 = arith.constant 1 : i32
    %swap3A_45 = arith.constant 0 : i32
    %swap3A_46 = arith.index_cast %swap3A_44 : i32 to index
    %swap3A_47 = arith.index_cast %swap3A_45 : i32 to index
    %swap3A_48 = memref.load %arg6[%swap3A_46, %swap3A_47] : memref<2x4xf32, #tpu.memory_space<smem>>
    memref.store %get3A_43, %arg6[%swap3A_46, %swap3A_47] : memref<2x4xf32, #tpu.memory_space<smem>>
    %get3A_49 = arith.constant 1 : i32
    %get3A_50 = arith.index_cast %get3A_39 : i32 to index
    %get3A_51 = arith.index_cast %get3A_49 : i32 to index
    %get3A_52 = memref.load %arg5[%get3A_50, %get3A_51] : memref<3x4xf32, #tpu.memory_space<smem>>
    %swap3A_53 = arith.constant 1 : i32
    %swap3A_54 = arith.constant 1 : i32
    %swap3A_55 = arith.index_cast %swap3A_53 : i32 to index
    %swap3A_56 = arith.index_cast %swap3A_54 : i32 to index
    %swap3A_57 = memref.load %arg6[%swap3A_55, %swap3A_56] : memref<2x4xf32, #tpu.memory_space<smem>>
    memref.store %get3A_52, %arg6[%swap3A_55, %swap3A_56] : memref<2x4xf32, #tpu.memory_space<smem>>
    %get3A_58 = arith.constant 2 : i32
    %get3A_59 = arith.index_cast %get3A_39 : i32 to index
    %get3A_60 = arith.index_cast %get3A_58 : i32 to index
    %get3A_61 = memref.load %arg5[%get3A_59, %get3A_60] : memref<3x4xf32, #tpu.memory_space<smem>>
    %swap3A_62 = arith.constant 1 : i32
    %swap3A_63 = arith.constant 2 : i32
    %swap3A_64 = arith.index_cast %swap3A_62 : i32 to index
    %swap3A_65 = arith.index_cast %swap3A_63 : i32 to index
    %swap3A_66 = memref.load %arg6[%swap3A_64, %swap3A_65] : memref<2x4xf32, #tpu.memory_space<smem>>
    memref.store %get3A_61, %arg6[%swap3A_64, %swap3A_65] : memref<2x4xf32, #tpu.memory_space<smem>>
    %get3A_67 = arith.constant 3 : i32
    %get3A_68 = arith.index_cast %get3A_39 : i32 to index
    %get3A_69 = arith.index_cast %get3A_67 : i32 to index
    %get3A_70 = memref.load %arg5[%get3A_68, %get3A_69] : memref<3x4xf32, #tpu.memory_space<smem>>
    %swap3A_71 = arith.constant 1 : i32
    %swap3A_72 = arith.constant 3 : i32
    %swap3A_73 = arith.index_cast %swap3A_71 : i32 to index
    %swap3A_74 = arith.index_cast %swap3A_72 : i32 to index
    %swap3A_75 = memref.load %arg6[%swap3A_73, %swap3A_74] : memref<2x4xf32, #tpu.memory_space<smem>>
    memref.store %get3A_70, %arg6[%swap3A_73, %swap3A_74] : memref<2x4xf32, #tpu.memory_space<smem>>
    "tpu.region"() ({
      %run_scoped3A = tpu.sem_alloc : memref<!tpu.dma_semaphore, #tpu.memory_space<semaphore_mem>>
      tpu.enqueue_dma source(%arg6 : memref<2x4xf32, #tpu.memory_space<smem>>) target(%arg3 : memref<2x4xf32, #tpu.memory_space<hbm>>) target_semaphore(%run_scoped3A : memref<!tpu.dma_semaphore, #tpu.memory_space<semaphore_mem>>)
      tpu.wait_dma2 semaphore(%run_scoped3A : memref<!tpu.dma_semaphore, #tpu.memory_space<semaphore_mem>>) src(%arg6 : memref<2x4xf32, #tpu.memory_space<smem>>) dst(%arg3 : memref<2x4xf32, #tpu.memory_space<hbm>>)
      tpu.yield
    }) : () -> ()
    return
  }
}

</mosaic_0001>

<sc_bundles>
// kernel: kernel.3.cloned.1.call-start
scs
__scs_entry_jumppad:
0x0: {  	(pc) =	sbr.rel $0x88, $3  }
0x1: {  	(tag) =	ssettag $0x0;
	lr =	simm.s32 $0x1  }
0x2: {  	[smem:$0x3F9F] =	sst lr;
	_ =	strace $0xD0000000  }
0x3: {  	_ = 	snop  }
0x4: {  	_ = 	snop  }
0x5: {  	_ = 	snop  }
0x6: {  	_ = 	snop  }
0x7: {  	_ = 	snop  }
__scs_overlays_trampoline_lowered:
0x8: {  	[smem:$0x3FAE] =	sst s0  }
0x9: {  	[smem:$0x3FAF] =	sst s1  }
0xa: {  	[smem:$0x3FB0] =	sst s2  }
0xb: {  	[smem:$0x3FB1] =	sst s3  }
0xc: {  	[smem:$0x3FB2] =	sst s4  }
0xd: {  	[smem:$0x3FB3] =	sst s5  }
0xe: {  	[smem:$0x3FB4] =	sst s6  }
0xf: {  	[smem:$0x3FB5] =	sst s7  }
0x10: {  	[smem:$0x3FB6] =	sst s8  }
0x11: {  	[smem:$0x3FB7] =	sst s9;
	s0 =	simm.s32 @!p0 $0x0  }
0x12: {  	s1 =	sld [smem:$0x3F9D];
	s0 =	simm.s32 @p0 $0x1  }
0x13: {  	[smem:$0x3FB8] =	sst s0;
	s0 =	simm.s32 @!p1 $0x0  }
0x14: {  	s2 =	sld [smem:$0x3F9C];
	s0 =	simm.s32 @p1 $0x1  }
0x15: {  	[smem:$0x3FB9] =	sst s0;
	s0 =	simm.s32 @!p2 $0x0  }
0x16: {  	s3 =	sld [smem:$0x3FDB];
	s0 =	simm.s32 @p2 $0x1  }
0x17: {  	s4 =	simm.s32 $0x1BF5;
	[smem:$0x3FBB] =	sst s0  }
0x18: {  	s0 =	sld [smem:$0x3F9E];
	_ =	swait.ge [sflag:s4], $0x0  }
0x19: {  	s7 =	sld [smem:$0x3F9F]  }
0x1a: {  	s8 =	sadd.s32 $0xFFFFE003, lr  }
0x1b: {  	s9 =	sadd.s32 $0xFFFFFEF7, lr;
	s5 =	simm.s32 $0xFFFFFFFF;
	p2 =	slt.u32 s8, $0xFFFFF086  }
0x1c: {  	p1 =	slt.u32 s9, $0xF7A;
	s5 =	simm.s32 @!p2 $0x0  }
0x1d: {  	s5 =	simm.s32 @p1 $0x1;
	p0 =	seq.s32 s7, s2  }
0x1e: {  	s7 =	smul.u32 @!p0 $0xF7A, s2;
	p2 =	seq.s32 @!p0 s5, $0x0  }
0x1f: {  	s9 =	smul.u32 $0xF7A, s1;
	s8 =	simm.s32 @!p0 $0x1BF5;
	p2 =	por !p2, p0  }
0x20: {  	[sflag:s8] =	ssyncset.s32 @!p0 $0xFFFFF086;
	s6 =	sadd.s32 @!p0 s3, s7;
	s7 =	simm.s32 @!p0 $0x108  }
0x21: {  	s3 =	sadd.s32 s3, s9;
	s6 =	sadd.s32 @!p0 $0x88, s6;
	s7 =	simm.s32 @p2 $0x1082  }
0x22: {  	[simem:s7], [sflag:s8] =	dma.local @!p0 [hbm:s6], $0xF7A  }
0x23: {  	s9 =	sor.u32 $0xD0000000, s2;
	s6 =	simm.s32 $0x108;
	_ =	swait.ge @!p0 [sflag:s8], $0x0  }
0x24: {  	s3 =	sadd.s32 $0x88, s3;
	s6 =	simm.s32 @!p1 $0x1082;
	[sflag:s4] =	ssyncset.s32 $0xFFFFF086  }
0x25: {  	[simem:s6], [sflag:s4] =	dma.local [hbm:s3], $0xF7A  }
0x26: {  	[smem:$0x3F9F] =	sst s1;
	(tag) =	ssettag s2;
	_ =	strace s9  }
0x27: {  	s1 =	sld [smem:$0x3FAF]  }
0x28: {  	s2 =	sld [smem:$0x3FB0]  }
0x29: {  	s4 =	sld [smem:$0x3FB2]  }
0x2a: {  	p0 =	seq.s32 s5, $0x0;
	s5 =	sld [smem:$0x3FB3]  }
0x2b: {  	s6 =	sld [smem:$0x3FB4]  }
0x2c: {  	s7 =	sld [smem:$0x3FB5]  }
0x2d: {  	s3 =	simm.s32 $0x108;
	s8 =	sld [smem:$0x3FB6]  }
0x2e: {  	s3 =	simm.s32 @!p0 $0x1082;
	s9 =	sld [smem:$0x3FB7]  }
0x2f: {  	lr =	sadd.s32 s0, s3;
	s0 =	sld [smem:$0x3FAE]  }
0x30: {  	s3 =	sld [smem:$0x3FB1]  }
0x31: {  	[smem:$0x3FBA] =	sst s10  }
0x32: {  	s10 =	sld [smem:$0x3FB8];
	_ =	sdelay $0x3  }
0x33: {  	p0 =	seq.s32 s10, $0x1;
	s10 =	sld [smem:$0x3FBA];
	_ =	sdelay $0x3  }
0x34: {  	[smem:$0x3FBA] =	sst s10  }
0x35: {  	s10 =	sld [smem:$0x3FB9];
	_ =	sdelay $0x3  }
0x36: {  	p1 =	seq.s32 s10, $0x1;
	s10 =	sld [smem:$0x3FBA];
	_ =	sdelay $0x3  }
0x37: {  	[smem:$0x3FBA] =	sst s10  }
0x38: {  	s10 =	sld [smem:$0x3FBB]  }
0x39: {  	_ = 	snop;
	(pc) =	sbr.ind lr, $3  }
0x3a: {  	_ = 	snop  }
0x3b: {  	_ = 	snop  }
0x3c: {  	p2 =	seq.s32 s10, $0x1;
	s10 =	sld [smem:$0x3FBA]  }
0x3d: {  	_ =	shalt  }
0x3e: {  	_ =	shalt  }
0x3f: {  	_ =	shalt  }
0x40: {  	_ =	shalt  }
0x41: {  	_ =	shalt  }
0x42: {  	_ =	shalt  }
0x43: {  	_ =	shalt  }
0x44: {  	_ =	shalt  }
0x45: {  	_ =	shalt  }
0x46: {  	_ =	shalt  }
0x47: {  	_ =	shalt  }
0x48: {  	_ =	shalt  }
0x49: {  	_ =	shalt  }
0x4a: {  	_ =	shalt  }
0x4b: {  	_ =	shalt  }
0x4c: {  	_ =	shalt  }
0x4d: {  	_ =	shalt  }
0x4e: {  	_ =	shalt  }
0x4f: {  	_ =	shalt  }
0x50: {  	_ =	shalt  }
0x51: {  	_ =	shalt  }
0x52: {  	_ =	shalt  }
0x53: {  	_ =	shalt  }
0x54: {  	_ =	shalt  }
0x55: {  	_ =	shalt  }
0x56: {  	_ =	shalt  }
0x57: {  	_ =	shalt  }
0x58: {  	_ =	shalt  }
0x59: {  	_ =	shalt  }
0x5a: {  	_ =	shalt  }
0x5b: {  	_ =	shalt  }
0x5c: {  	_ =	shalt  }
0x5d: {  	_ =	shalt  }
0x5e: {  	_ =	shalt  }
0x5f: {  	_ =	shalt  }
0x60: {  	_ =	shalt  }
0x61: {  	_ =	shalt  }
0x62: {  	_ =	shalt  }
0x63: {  	_ =	shalt  }
0x64: {  	_ =	shalt  }
0x65: {  	_ =	shalt  }
0x66: {  	_ =	shalt  }
0x67: {  	_ =	shalt  }
0x68: {  	_ =	shalt  }
0x69: {  	_ =	shalt  }
0x6a: {  	_ =	shalt  }
0x6b: {  	_ =	shalt  }
0x6c: {  	_ =	shalt  }
0x6d: {  	_ =	shalt  }
0x6e: {  	_ =	shalt  }
0x6f: {  	_ =	shalt  }
0x70: {  	_ =	shalt  }
0x71: {  	_ =	shalt  }
0x72: {  	_ =	shalt  }
0x73: {  	_ =	shalt  }
0x74: {  	_ =	shalt  }
0x75: {  	_ =	shalt  }
0x76: {  	_ =	shalt  }
0x77: {  	_ =	shalt  }
0x78: {  	_ =	shalt  }
0x79: {  	_ =	shalt  }
0x7a: {  	_ =	shalt  }
0x7b: {  	_ =	shalt  }
0x7c: {  	_ =	shalt  }
0x7d: {  	_ =	shalt  }
0x7e: {  	_ =	shalt  }
0x7f: {  	_ =	shalt  }
0x80: {  	_ =	shalt  }
0x81: {  	_ =	shalt  }
0x82: {  	_ =	shalt  }
0x83: {  	_ =	shalt  }
0x84: {  	_ =	shalt  }
0x85: {  	_ =	shalt  }
0x86: {  	_ =	shalt  }
0x87: {  	_ =	shalt  }
.Lfunc_end0:
.L_simem_size_0:
called_computation_lowered:
.L_overlay_start_0:
0x88: {  	s0 =	sld [smem:$0x3FD9]  }
0x89: {  	s1 =	sld [smem:$0x3FFE];
	_ =	sdelay $0x3  }
0x8a: {  	s0 =	sadd.s32 s1, s0  }
0x8b: {  	[smem:$0x3FC6] =	sst s0  }
0x8c: {  	_ = 	snop  }
0x8d: {  	s0 =	sld [smem:$0x3FC9]  }
0x8e: {  	s18 =	sld [smem:$0x3FC8]  }
0x8f: {  	s2 =	sld [smem:$0x3FD0];
	(tm) =	ssettm $0x1  }
0x90: {  	s3 =	sld [smem:$0x3FFB];
	_ =	sdelay $0x3  }
0x91: {  	_ =	strace s3  }
0x92: {  	s3 =	sld [smem:$0x3FFC];
	_ =	sdelay $0x3  }
0x93: {  	_ =	strace s3  }
0x94: {  	s3 =	sld [smem:$0x3FFD];
	_ =	sdelay $0x3  }
0x95: {  	_ =	strace s3  }
0x96: {  	s19 =	simm.s32 $0x1B8B;
	_ =	strace $0x8FFFFFFF  }
0x97: {  	_ =	swait.ge [sflag:s19], $0x1  }
0x98: {  	[sflag:s19] =	ssyncset.done $0x0  }
0x99: {  	s20 =	simm.s32 $0x1B8E;
	[sflag:s19] =	ssyncadd.s32 $0xFFFFFFFF  }
0x9a: {  	s21 =	simm.s32 $0x9;
	[smem:$0x3FD2] =	sst s20  }
0x9b: {  	s4 =	simm.s32 $0x10;
	s22 =	simm.s32 $0x90;
	_ =	strace $0x80000046  }
0x9c: {  	[smem:s4], [sflag:s21] =	dma.local [hbm:s0], $0x10  }
0x9d: {  	[smem:s22], [sflag:s21] =	dma.local [hbm:s18], $0x30  }
0x9e: {  	_ =	swait.ge [sflag:s21], $0x10  }
0x9f: {  	[sflag:s21] =	ssyncset.done $0x0  }
0xa0: {  	[sflag:s21] =	ssyncadd.s32 $0xFFFFFFF0;
	_ =	sdelay $0x2  }
0xa1: {  	_ =	swait.ge [sflag:s21], $0x30  }
0xa2: {  	[sflag:s21] =	ssyncset.done $0x0  }
0xa3: {  	[sflag:s21] =	ssyncadd.s32 $0xFFFFFFD0  }
0xa4: {  	s23 =	sld [smem:$0x10];
	_ =	sdelay $0x3  }
0xa5: {  	s0 =	sshll.u32 s23, $0x7  }
0xa6: {  	s0 =	sand.u32 $0x3FFFFF80, s0  }
0xa7: {  	s24 =	sld [smem:s0+$0x90];
	_ =	sdelay $0x3  }
0xa8: {  	[smem:$0x290] =	sst s24  }
0xa9: {  	s1 =	sld [smem:s0+$0x91];
	_ =	sdelay $0x3  }
0xaa: {  	[smem:$0x291] =	sst s1  }
0xab: {  	s1 =	sld [smem:s0+$0x92];
	_ =	sdelay $0x3  }
0xac: {  	[smem:$0x292] =	sst s1  }
0xad: {  	s0 =	sld [smem:s0+$0x93];
	_ =	sdelay $0x3  }
0xae: {  	[smem:$0x293] =	sst s0  }
0xaf: {  	s0 =	sld [smem:$0x11];
	_ =	sdelay $0x3  }
0xb0: {  	s0 =	sshll.u32 s0, $0x7  }
0xb1: {  	s0 =	sand.u32 $0x3FFFFF80, s0  }
0xb2: {  	s1 =	sld [smem:s0+$0x90];
	_ =	sdelay $0x3  }
0xb3: {  	[smem:$0x310] =	sst s1  }
0xb4: {  	s1 =	sld [smem:s0+$0x91];
	_ =	sdelay $0x3  }
0xb5: {  	[smem:$0x311] =	sst s1  }
0xb6: {  	s1 =	sld [smem:s0+$0x92];
	_ =	sdelay $0x3  }
0xb7: {  	[smem:$0x312] =	sst s1  }
0xb8: {  	s0 =	sld [smem:s0+$0x93];
	_ =	sdelay $0x3  }
0xb9: {  	s25 =	simm.s32 $0x290;
	s26 =	simm.s32 $0xA;
	[smem:$0x313] =	sst s0  }
0xba: {  	[hbm:s2], [sflag:s26] =	dma.local [smem:s25], $0x20  }
0xbb: {  	_ =	swait.ge [sflag:s26], $0x20  }
0xbc: {  	[sflag:s26] =	ssyncset.done $0x0  }
0xbd: {  	[sflag:s26] =	ssyncadd.s32 $0xFFFFFFE0  }
0xbe: {  	_ =	strace $0x90000046  }
0xbf: {  	_ =	sfence  }
0xc0: {  	s28 =	sld [smem:$0x0];
	_ =	sdelay $0x1  }
0xc1: {  	s29 =	srdreg.scid  }
0xc2: {  	s30 =	sshll.u32 s29, $0xD;
	s31 =	sshrl.u32 s29, $0x2  }
0xc3: {  	s1 =	sand.u32 $0x1, s29;
	s2 =	sand.u32 $0x4000, s30;
	s0 =	sadd.s32 s31, s28  }
0xc4: {  	s1 =	sor.u32 s2, s1;
	s0 =	sshll.u32 s0, $0x11  }
0xc5: {  	s0 =	sor.u32 s0, s1  }
0xc6: {  	s0 =	sadd.s32 $0x8F2B, s0;
	(pc) =	sbr.abs _section_cstart, $3  }
0xc7: {  	[sflag:s0] =	ssyncadd.remote.s32 $0x1  }
0xc8: {  	_ =	strace $0x9FFFFFFF  }
0xc9: {  	(tm) =	ssettm $0x7FFFFFFF  }

</sc_bundles>
